<compile_context>
chip_gen: v7x
topology: tpu7x:2x2x1
jax: 0.10.2.dev20260603
libtpu: 0.0.44.dev20260713+nightly
codegen_flags: <defaults>
</compile_context>

<pallas_src>
import functools

import numpy as np
import jax
import jax.numpy as jnp
from jax import lax
from jax.experimental import pallas as pl
from jax.experimental.pallas import tpu as pltpu
from jax.experimental.pallas import tpu_sc as plsc

C, T, V = 64, 2048, 128
LOW, HIGH = 512, 1024

_rng = np.random.default_rng(0)
_num = int(_rng.integers(LOW, HIGH + 1))
_masked_inds = np.asarray(_rng.choice(T, _num, replace=False), dtype=np.int64)

NC, NS = 2, 16
NW = NC * NS
FPW = T // NW
ZPAD = 64


def _build_masked_table():
    tab = np.zeros((NW, ZPAD), dtype=np.int32)
    for w in range(NW):
        lo, hi = w * FPW, (w + 1) * FPW
        mine = np.sort(_masked_inds[(_masked_inds >= lo) & (_masked_inds < hi)])
        if len(mine) == 0:
            mine = _masked_inds[w : w + 1]
        tab[w] = np.resize(mine, ZPAD)
    return tab


_MTAB = _build_masked_table()

_mesh = plsc.VectorSubcoreMesh(core_axis_name="c", subcore_axis_name="s")


@functools.partial(
    pl.kernel,
    mesh=_mesh,
    out_type=jax.ShapeDtypeStruct((T, V), jnp.float32),
    scratch_types=[
        pltpu.VMEM((ZPAD,), jnp.int32),
        pltpu.VMEM((FPW, V), jnp.float32),
        pltpu.VMEM((ZPAD, V), jnp.float32),
        pltpu.SemaphoreType.DMA,
        pltpu.SemaphoreType.DMA,
        pltpu.SemaphoreType.DMA,
    ],
)
def _sc_make_fm(ones_hbm, z_hbm, mt_hbm, fm_hbm, mtv, onesv, zv,
                sem0, sem1, sem2):
    wid = lax.axis_index("s") * NC + lax.axis_index("c")
    h0 = pltpu.async_copy(mt_hbm.at[wid], mtv, sem0)
    h1 = pltpu.async_copy(ones_hbm, onesv, sem1)
    h2 = pltpu.async_copy(z_hbm, zv, sem2)
    h1.wait()
    pltpu.sync_copy(onesv, fm_hbm.at[pl.ds(wid * FPW, FPW)])
    h0.wait()
    h2.wait()
    pltpu.async_copy(zv, fm_hbm.at[mtv], sem1).wait()


_BR = 8192


def _mul_body(mask_ref, fm_ref, out_ref, fm_vmem):
    @pl.when(pl.program_id(0) == 0)
    def _init():
        for k in range(_BR // T):
            fm_vmem[pl.ds(k * T, T), :] = fm_ref[...]

    out_ref[...] = mask_ref[...] * fm_vmem[...]


def kernel(x, mask):
    ones = jnp.ones((FPW, V), jnp.float32)
    zeros = jnp.zeros((ZPAD, V), jnp.float32)
    fm2d = _sc_make_fm(ones, zeros, jnp.asarray(_MTAB))
    m2d = mask.reshape(C * T, V)
    out = pl.pallas_call(
        _mul_body,
        grid=(C * T // _BR,),
        in_specs=[
            pl.BlockSpec((_BR, V), lambda i: (i, 0)),
            pl.BlockSpec((T, V), lambda i: (0, 0)),
        ],
        out_specs=pl.BlockSpec((_BR, V), lambda i: (i, 0)),
        out_shape=jax.ShapeDtypeStruct((C * T, V), jnp.float32),
        scratch_shapes=[pltpu.VMEM((_BR, V), jnp.float32)],
    )(m2d, fm2d)
    return (x, out.reshape(C, T, V))

# --- scband reference (transcript-rebuilt; emitter-appended) ---
"""Pipeline reference for scband-random-mask-frame-between-60447369724028 (READ-ONLY COPY).

The authoritative reference and input builder live on the scoring server;
editing this copy changes nothing except your own understanding.
"""

import jax, jax.numpy as jnp
import numpy as np

LOW = 512
HIGH = 1024

def setup_inputs(seed: int = 0) -> dict:
    key = jax.random.key(seed)
    k1, k2 = jax.random.split(key)
    x = jax.random.normal(k1, (64, 2048, 128), dtype=jnp.float32)
    mask = jax.random.uniform(k2, (64, 2048, 128), dtype=jnp.float32)
    return {"x": x, "mask": mask}

def reference(x, mask):
    C, T, V = x.shape
    low = max(0, LOW)
    high = min(HIGH, T)
    # deterministic stand-in for np.random.choice in the torch module
    rng = np.random.default_rng(0)
    num = int(rng.integers(low, high + 1))
    masked_inds = np.asarray(rng.choice(T, num, replace=False), dtype=np.int64)
    out_mask = jnp.ones_like(x)
    # scatter-overwrite: zero out selected frames across all channels/vertices
    out_mask = out_mask.at[:, masked_inds].set(0.0)
    out_mask = out_mask * mask
    return (x, out_mask)

if __name__ == "__main__":
    import jax
    _d = setup_inputs()
    print(jax.jit(kernel)(*tuple(_d.values())))

</pallas_src>

<mosaic_0001>
#map = affine_map<(d0, d1) -> (0, 0)>
module attributes {stable_mosaic.version = 14 : i64} {
  func.func @_sc_make_fm(%arg0: i32, %arg1: i32, %arg2: memref<64x128xf32, #tpu.memory_space<hbm>>, %arg3: memref<64x128xf32, #tpu.memory_space<hbm>>, %arg4: memref<32x64xi32, #tpu.memory_space<hbm>>, %arg5: memref<2048x128xf32, #tpu.memory_space<hbm>>, %arg6: memref<64xi32, #tpu.memory_space<vmem>>, %arg7: memref<64x128xf32, #tpu.memory_space<vmem>>, %arg8: memref<64x128xf32, #tpu.memory_space<vmem>>, %arg9: memref<!tpu.dma_semaphore, #tpu.memory_space<semaphore_mem>>, %arg10: memref<!tpu.dma_semaphore, #tpu.memory_space<semaphore_mem>>, %arg11: memref<!tpu.dma_semaphore, #tpu.memory_space<semaphore_mem>>) attributes {dimension_semantics = [#tpu.dimension_semantics<core_parallel>, #tpu.dimension_semantics<subcore_parallel>], iteration_bounds = array<i64: 2, 16>, scalar_prefetch = 0 : i64, scratch_operands = 6 : i64, tpu.core_type = #tpu.core_type<sc_vector_subcore>, window_params = [{transform_indices = #map}, {transform_indices = #map}, {transform_indices = #map}, {transform_indices = #map}]} {
    %mul3A = arith.constant 2 : i32
    %mul3A_0 = arith.muli %arg1, %mul3A : i32
    %add3A = arith.addi %mul3A_0, %arg0 : i32
    %dma_start3A = arith.constant 0 : i32
    %dma_start3A_1 = tpu.memref_slice %arg4[%add3A, %dma_start3A] : memref<32x64xi32, #tpu.memory_space<hbm>> -> memref<1x64xi32, #tpu.memory_space<hbm>>
    %dma_start3A_2 = tpu.memref_squeeze %dma_start3A_1 : memref<1x64xi32, #tpu.memory_space<hbm>> -> memref<64xi32, #tpu.memory_space<hbm>>
    %dma_start3A_3 = arith.constant 0 : i32
    %dma_start3A_4 = tpu.memref_slice %arg4[%add3A, %dma_start3A_3] : memref<32x64xi32, #tpu.memory_space<hbm>> -> memref<1x64xi32, #tpu.memory_space<hbm>>
    %dma_start3A_5 = tpu.memref_squeeze %dma_start3A_4 : memref<1x64xi32, #tpu.memory_space<hbm>> -> memref<64xi32, #tpu.memory_space<hbm>>
    tpu.enqueue_dma source(%dma_start3A_5 : memref<64xi32, #tpu.memory_space<hbm>>) target(%arg6 : memref<64xi32, #tpu.memory_space<vmem>>) target_semaphore(%arg9 : memref<!tpu.dma_semaphore, #tpu.memory_space<semaphore_mem>>)
    tpu.enqueue_dma source(%arg2 : memref<64x128xf32, #tpu.memory_space<hbm>>) target(%arg7 : memref<64x128xf32, #tpu.memory_space<vmem>>) target_semaphore(%arg10 : memref<!tpu.dma_semaphore, #tpu.memory_space<semaphore_mem>>)
    tpu.enqueue_dma source(%arg3 : memref<64x128xf32, #tpu.memory_space<hbm>>) target(%arg8 : memref<64x128xf32, #tpu.memory_space<vmem>>) target_semaphore(%arg11 : memref<!tpu.dma_semaphore, #tpu.memory_space<semaphore_mem>>)
    tpu.wait_dma2 semaphore(%arg10 : memref<!tpu.dma_semaphore, #tpu.memory_space<semaphore_mem>>) src(%arg2 : memref<64x128xf32, #tpu.memory_space<hbm>>) dst(%arg7 : memref<64x128xf32, #tpu.memory_space<vmem>>)
    %mul3A_6 = arith.constant 64 : i32
    %mul3A_7 = arith.muli %add3A, %mul3A_6 : i32
    "tpu.region"() ({
      %run_scoped3A = tpu.sem_alloc : memref<!tpu.dma_semaphore, #tpu.memory_space<semaphore_mem>>
      %dma_start3A_19 = arith.constant 0 : i32
      %dma_start3A_20 = tpu.memref_slice %arg5[%mul3A_7, %dma_start3A_19] : memref<2048x128xf32, #tpu.memory_space<hbm>> -> memref<64x128xf32, #tpu.memory_space<hbm>>
      %dma_start3A_21 = arith.constant 0 : i32
      %dma_start3A_22 = tpu.memref_slice %arg5[%mul3A_7, %dma_start3A_21] : memref<2048x128xf32, #tpu.memory_space<hbm>> -> memref<64x128xf32, #tpu.memory_space<hbm>>
      tpu.enqueue_dma source(%arg7 : memref<64x128xf32, #tpu.memory_space<vmem>>) target(%dma_start3A_22 : memref<64x128xf32, #tpu.memory_space<hbm>>) target_semaphore(%run_scoped3A : memref<!tpu.dma_semaphore, #tpu.memory_space<semaphore_mem>>)
      %dma_wait3A_23 = arith.constant 0 : i32
      %dma_wait3A_24 = tpu.memref_slice %arg5[%mul3A_7, %dma_wait3A_23] : memref<2048x128xf32, #tpu.memory_space<hbm>> -> memref<64x128xf32, #tpu.memory_space<hbm>>
      %dma_wait3A_25 = arith.constant 0 : i32
      %dma_wait3A_26 = tpu.memref_slice %arg5[%mul3A_7, %dma_wait3A_25] : memref<2048x128xf32, #tpu.memory_space<hbm>> -> memref<64x128xf32, #tpu.memory_space<hbm>>
      tpu.wait_dma2 semaphore(%run_scoped3A : memref<!tpu.dma_semaphore, #tpu.memory_space<semaphore_mem>>) src(%arg7 : memref<64x128xf32, #tpu.memory_space<vmem>>) dst(%dma_wait3A_26 : memref<64x128xf32, #tpu.memory_space<hbm>>)
      tpu.yield
    }) : () -> ()
    %dma_wait3A = arith.constant 0 : i32
    %dma_wait3A_8 = tpu.memref_slice %arg4[%add3A, %dma_wait3A] : memref<32x64xi32, #tpu.memory_space<hbm>> -> memref<1x64xi32, #tpu.memory_space<hbm>>
    %dma_wait3A_9 = tpu.memref_squeeze %dma_wait3A_8 : memref<1x64xi32, #tpu.memory_space<hbm>> -> memref<64xi32, #tpu.memory_space<hbm>>
    %dma_wait3A_10 = arith.constant 0 : i32
    %dma_wait3A_11 = tpu.memref_slice %arg4[%add3A, %dma_wait3A_10] : memref<32x64xi32, #tpu.memory_space<hbm>> -> memref<1x64xi32, #tpu.memory_space<hbm>>
    %dma_wait3A_12 = tpu.memref_squeeze %dma_wait3A_11 : memref<1x64xi32, #tpu.memory_space<hbm>> -> memref<64xi32, #tpu.memory_space<hbm>>
    tpu.wait_dma2 semaphore(%arg9 : memref<!tpu.dma_semaphore, #tpu.memory_space<semaphore_mem>>) src(%dma_wait3A_12 : memref<64xi32, #tpu.memory_space<hbm>>) dst(%arg6 : memref<64xi32, #tpu.memory_space<vmem>>)
    tpu.wait_dma2 semaphore(%arg11 : memref<!tpu.dma_semaphore, #tpu.memory_space<semaphore_mem>>) src(%arg3 : memref<64x128xf32, #tpu.memory_space<hbm>>) dst(%arg8 : memref<64x128xf32, #tpu.memory_space<vmem>>)
    %dma_start3A_13 = arith.constant 0 : i32
    %dma_start3A_14 = arith.constant 0 : i32
    %dma_start3A_15 = tpu.memref_slice %arg5[%dma_start3A_13, %dma_start3A_14] : memref<2048x128xf32, #tpu.memory_space<hbm>> -> memref<2048x128xf32, #tpu.memory_space<hbm>>
    tpu.enqueue_indirect_dma source(%arg8 : memref<64x128xf32, #tpu.memory_space<vmem>>) target(%dma_start3A_15 : memref<2048x128xf32, #tpu.memory_space<hbm>>) offsets(%arg6 : memref<64xi32, #tpu.memory_space<vmem>>) semaphore(%arg10 : memref<!tpu.dma_semaphore, #tpu.memory_space<semaphore_mem>>)
    %dma_wait3A_16 = arith.constant 0 : i32
    %dma_wait3A_17 = arith.constant 0 : i32
    %dma_wait3A_18 = tpu.memref_slice %arg5[%dma_wait3A_16, %dma_wait3A_17] : memref<2048x128xf32, #tpu.memory_space<hbm>> -> memref<2048x128xf32, #tpu.memory_space<hbm>>
    tpu.wait_indirect_dma semaphore(%arg10 : memref<!tpu.dma_semaphore, #tpu.memory_space<semaphore_mem>>) src(%arg8 : memref<64x128xf32, #tpu.memory_space<vmem>>) dst(%dma_wait3A_18 : memref<2048x128xf32, #tpu.memory_space<hbm>>)
    return
  }
}

module attributes {stable_mosaic.version = 14 : i64} {
  func.func @_mul_body(%arg0: i32, %arg1: memref<8192x128xf32, #tpu.memory_space<vmem>>, %arg2: memref<2048x128xf32, #tpu.memory_space<vmem>>, %arg3: memref<8192x128xf32, #tpu.memory_space<vmem>>, %arg4: memref<8192x128xf32, #tpu.memory_space<vmem>>) attributes {dimension_semantics = [#tpu.dimension_semantics<arbitrary>], iteration_bounds = array<i64: 16>, scalar_prefetch = 0 : i64, scratch_operands = 1 : i64, tpu.core_type = #tpu.core_type<tc>, window_params = [{transform_indices = @transform_0, window_bounds = array<i64: 8192, 128>}, {pipeline_mode = #tpu.pipeline_mode<synchronous>, transform_indices = @transform_1, window_bounds = array<i64: 2048, 128>}, {transform_indices = @transform_2, window_bounds = array<i64: 8192, 128>}]} {
    %eq3A = arith.constant 0 : i32
    %eq3A_0 = arith.cmpi eq, %arg0, %eq3A : i32
    %convert_element_type3A = arith.extui %eq3A_0 : i1 to i32
    %cond3A = arith.constant 0 : i32
    %cond3A_1 = arith.cmpi ne, %convert_element_type3A, %cond3A : i32
    scf.if %cond3A_1 {
      %get3A_9 = arith.constant 0 : index
      %get3A_10 = arith.constant 0 : index
      %get3A_11 = vector.load %arg2[%get3A_9, %get3A_10] : memref<2048x128xf32, #tpu.memory_space<vmem>>, vector<2048x128xf32>
      %swap3A_12 = arith.constant 0 : index
      %swap3A_13 = arith.constant 0 : index
      %swap3A_14 = vector.load %arg4[%swap3A_12, %swap3A_13] : memref<8192x128xf32, #tpu.memory_space<vmem>>, vector<2048x128xf32>
      tpu.vector_store %arg4[%swap3A_12, %swap3A_13], %get3A_11 {strides = array<i32>} : memref<8192x128xf32, #tpu.memory_space<vmem>>, vector<2048x128xf32>,
      %get3A_15 = arith.constant 0 : index
      %get3A_16 = arith.constant 0 : index
      %get3A_17 = vector.load %arg2[%get3A_15, %get3A_16] : memref<2048x128xf32, #tpu.memory_space<vmem>>, vector<2048x128xf32>
      %swap3A_18 = arith.constant 2048 : index
      %swap3A_19 = arith.constant 0 : index
      %swap3A_20 = vector.load %arg4[%swap3A_18, %swap3A_19] : memref<8192x128xf32, #tpu.memory_space<vmem>>, vector<2048x128xf32>
      tpu.vector_store %arg4[%swap3A_18, %swap3A_19], %get3A_17 {strides = array<i32>} : memref<8192x128xf32, #tpu.memory_space<vmem>>, vector<2048x128xf32>,
      %get3A_21 = arith.constant 0 : index
      %get3A_22 = arith.constant 0 : index
      %get3A_23 = vector.load %arg2[%get3A_21, %get3A_22] : memref<2048x128xf32, #tpu.memory_space<vmem>>, vector<2048x128xf32>
      %swap3A_24 = arith.constant 4096 : index
      %swap3A_25 = arith.constant 0 : index
      %swap3A_26 = vector.load %arg4[%swap3A_24, %swap3A_25] : memref<8192x128xf32, #tpu.memory_space<vmem>>, vector<2048x128xf32>
      tpu.vector_store %arg4[%swap3A_24, %swap3A_25], %get3A_23 {strides = array<i32>} : memref<8192x128xf32, #tpu.memory_space<vmem>>, vector<2048x128xf32>,
      %get3A_27 = arith.constant 0 : index
      %get3A_28 = arith.constant 0 : index
      %get3A_29 = vector.load %arg2[%get3A_27, %get3A_28] : memref<2048x128xf32, #tpu.memory_space<vmem>>, vector<2048x128xf32>
      %swap3A_30 = arith.constant 6144 : index
      %swap3A_31 = arith.constant 0 : index
      %swap3A_32 = vector.load %arg4[%swap3A_30, %swap3A_31] : memref<8192x128xf32, #tpu.memory_space<vmem>>, vector<2048x128xf32>
      tpu.vector_store %arg4[%swap3A_30, %swap3A_31], %get3A_29 {strides = array<i32>} : memref<8192x128xf32, #tpu.memory_space<vmem>>, vector<2048x128xf32>,
    } else {
    }
    %get3A = arith.constant 0 : index
    %get3A_2 = arith.constant 0 : index
    %get3A_3 = vector.load %arg1[%get3A, %get3A_2] : memref<8192x128xf32, #tpu.memory_space<vmem>>, vector<8192x128xf32>
    %get3A_4 = arith.constant 0 : index
    %get3A_5 = arith.constant 0 : index
    %get3A_6 = vector.load %arg4[%get3A_4, %get3A_5] : memref<8192x128xf32, #tpu.memory_space<vmem>>, vector<8192x128xf32>
    %mul3A = arith.mulf %get3A_3, %get3A_6 : vector<8192x128xf32>
    %swap3A = arith.constant 0 : index
    %swap3A_7 = arith.constant 0 : index
    %swap3A_8 = vector.load %arg3[%swap3A, %swap3A_7] : memref<8192x128xf32, #tpu.memory_space<vmem>>, vector<8192x128xf32>
    tpu.vector_store %arg3[%swap3A, %swap3A_7], %mul3A {strides = array<i32>} : memref<8192x128xf32, #tpu.memory_space<vmem>>, vector<8192x128xf32>,
    return
  }
  func.func @transform_0(%arg0: i32) -> (i32, i32) {
    %c0_i32 = arith.constant 0 : i32
    %c0_i32_0 = arith.constant 0 : i32
    return %arg0, %c0_i32 : i32, i32
  }
  func.func @transform_1(%arg0: i32) -> (i32, i32) {
    %c0_i32 = arith.constant 0 : i32
    %c0_i32_0 = arith.constant 0 : i32
    %c0_i32_1 = arith.constant 0 : i32
    return %c0_i32, %c0_i32_0 : i32, i32
  }
  func.func @transform_2(%arg0: i32) -> (i32, i32) {
    %c0_i32 = arith.constant 0 : i32
    %c0_i32_0 = arith.constant 0 : i32
    return %arg0, %c0_i32 : i32, i32
  }
}

</mosaic_0001>

<sc_bundles>
// kernel: kernel.4.cloned.1.call-start
scs
__scs_entry_jumppad:
0x0: {  	(pc) =	sbr.rel $0x88, $3  }
0x1: {  	(tag) =	ssettag $0x0;
	lr =	simm.s32 $0x1  }
0x2: {  	[smem:$0x3F9F] =	sst lr;
	_ =	strace $0xD0000000  }
0x3: {  	_ = 	snop  }
0x4: {  	_ = 	snop  }
0x5: {  	_ = 	snop  }
0x6: {  	_ = 	snop  }
0x7: {  	_ = 	snop  }
__scs_overlays_trampoline_lowered:
0x8: {  	[smem:$0x3FAE] =	sst s0  }
0x9: {  	[smem:$0x3FAF] =	sst s1  }
0xa: {  	[smem:$0x3FB0] =	sst s2  }
0xb: {  	[smem:$0x3FB1] =	sst s3  }
0xc: {  	[smem:$0x3FB2] =	sst s4  }
0xd: {  	[smem:$0x3FB3] =	sst s5  }
0xe: {  	[smem:$0x3FB4] =	sst s6  }
0xf: {  	[smem:$0x3FB5] =	sst s7  }
0x10: {  	[smem:$0x3FB6] =	sst s8  }
0x11: {  	[smem:$0x3FB7] =	sst s9;
	s0 =	simm.s32 @!p0 $0x0  }
0x12: {  	s1 =	sld [smem:$0x3F9D];
	s0 =	simm.s32 @p0 $0x1  }
0x13: {  	[smem:$0x3FB8] =	sst s0;
	s0 =	simm.s32 @!p1 $0x0  }
0x14: {  	s2 =	sld [smem:$0x3F9C];
	s0 =	simm.s32 @p1 $0x1  }
0x15: {  	[smem:$0x3FB9] =	sst s0;
	s0 =	simm.s32 @!p2 $0x0  }
0x16: {  	s3 =	sld [smem:$0x3FDB];
	s0 =	simm.s32 @p2 $0x1  }
0x17: {  	s4 =	simm.s32 $0x1BF5;
	[smem:$0x3FBB] =	sst s0  }
0x18: {  	s0 =	sld [smem:$0x3F9E];
	_ =	swait.ge [sflag:s4], $0x0  }
0x19: {  	s7 =	sld [smem:$0x3F9F]  }
0x1a: {  	s8 =	sadd.s32 $0xFFFFE003, lr  }
0x1b: {  	s9 =	sadd.s32 $0xFFFFFEF7, lr;
	s5 =	simm.s32 $0xFFFFFFFF;
	p2 =	slt.u32 s8, $0xFFFFF086  }
0x1c: {  	p1 =	slt.u32 s9, $0xF7A;
	s5 =	simm.s32 @!p2 $0x0  }
0x1d: {  	s5 =	simm.s32 @p1 $0x1;
	p0 =	seq.s32 s7, s2  }
0x1e: {  	s7 =	smul.u32 @!p0 $0xF7A, s2;
	p2 =	seq.s32 @!p0 s5, $0x0  }
0x1f: {  	s9 =	smul.u32 $0xF7A, s1;
	s8 =	simm.s32 @!p0 $0x1BF5;
	p2 =	por !p2, p0  }
0x20: {  	[sflag:s8] =	ssyncset.s32 @!p0 $0xFFFFF086;
	s6 =	sadd.s32 @!p0 s3, s7;
	s7 =	simm.s32 @!p0 $0x108  }
0x21: {  	s3 =	sadd.s32 s3, s9;
	s6 =	sadd.s32 @!p0 $0x88, s6;
	s7 =	simm.s32 @p2 $0x1082  }
0x22: {  	[simem:s7], [sflag:s8] =	dma.local @!p0 [hbm:s6], $0xF7A  }
0x23: {  	s9 =	sor.u32 $0xD0000000, s2;
	s6 =	simm.s32 $0x108;
	_ =	swait.ge @!p0 [sflag:s8], $0x0  }
0x24: {  	s3 =	sadd.s32 $0x88, s3;
	s6 =	simm.s32 @!p1 $0x1082;
	[sflag:s4] =	ssyncset.s32 $0xFFFFF086  }
0x25: {  	[simem:s6], [sflag:s4] =	dma.local [hbm:s3], $0xF7A  }
0x26: {  	[smem:$0x3F9F] =	sst s1;
	(tag) =	ssettag s2;
	_ =	strace s9  }
0x27: {  	s1 =	sld [smem:$0x3FAF]  }
0x28: {  	s2 =	sld [smem:$0x3FB0]  }
0x29: {  	s4 =	sld [smem:$0x3FB2]  }
0x2a: {  	p0 =	seq.s32 s5, $0x0;
	s5 =	sld [smem:$0x3FB3]  }
0x2b: {  	s6 =	sld [smem:$0x3FB4]  }
0x2c: {  	s7 =	sld [smem:$0x3FB5]  }
0x2d: {  	s3 =	simm.s32 $0x108;
	s8 =	sld [smem:$0x3FB6]  }
0x2e: {  	s3 =	simm.s32 @!p0 $0x1082;
	s9 =	sld [smem:$0x3FB7]  }
0x2f: {  	lr =	sadd.s32 s0, s3;
	s0 =	sld [smem:$0x3FAE]  }
0x30: {  	s3 =	sld [smem:$0x3FB1]  }
0x31: {  	[smem:$0x3FBA] =	sst s10  }
0x32: {  	s10 =	sld [smem:$0x3FB8];
	_ =	sdelay $0x3  }
0x33: {  	p0 =	seq.s32 s10, $0x1;
	s10 =	sld [smem:$0x3FBA];
	_ =	sdelay $0x3  }
0x34: {  	[smem:$0x3FBA] =	sst s10  }
0x35: {  	s10 =	sld [smem:$0x3FB9];
	_ =	sdelay $0x3  }
0x36: {  	p1 =	seq.s32 s10, $0x1;
	s10 =	sld [smem:$0x3FBA];
	_ =	sdelay $0x3  }
0x37: {  	[smem:$0x3FBA] =	sst s10  }
0x38: {  	s10 =	sld [smem:$0x3FBB]  }
0x39: {  	_ = 	snop;
	(pc) =	sbr.ind lr, $3  }
0x3a: {  	_ = 	snop  }
0x3b: {  	_ = 	snop  }
0x3c: {  	p2 =	seq.s32 s10, $0x1;
	s10 =	sld [smem:$0x3FBA]  }
0x3d: {  	_ =	shalt  }
0x3e: {  	_ =	shalt  }
0x3f: {  	_ =	shalt  }
0x40: {  	_ =	shalt  }
0x41: {  	_ =	shalt  }
0x42: {  	_ =	shalt  }
0x43: {  	_ =	shalt  }
0x44: {  	_ =	shalt  }
0x45: {  	_ =	shalt  }
0x46: {  	_ =	shalt  }
0x47: {  	_ =	shalt  }
0x48: {  	_ =	shalt  }
0x49: {  	_ =	shalt  }
0x4a: {  	_ =	shalt  }
0x4b: {  	_ =	shalt  }
0x4c: {  	_ =	shalt  }
0x4d: {  	_ =	shalt  }
0x4e: {  	_ =	shalt  }
0x4f: {  	_ =	shalt  }
0x50: {  	_ =	shalt  }
0x51: {  	_ =	shalt  }
0x52: {  	_ =	shalt  }
0x53: {  	_ =	shalt  }
0x54: {  	_ =	shalt  }
0x55: {  	_ =	shalt  }
0x56: {  	_ =	shalt  }
0x57: {  	_ =	shalt  }
0x58: {  	_ =	shalt  }
0x59: {  	_ =	shalt  }
0x5a: {  	_ =	shalt  }
0x5b: {  	_ =	shalt  }
0x5c: {  	_ =	shalt  }
0x5d: {  	_ =	shalt  }
0x5e: {  	_ =	shalt  }
0x5f: {  	_ =	shalt  }
0x60: {  	_ =	shalt  }
0x61: {  	_ =	shalt  }
0x62: {  	_ =	shalt  }
0x63: {  	_ =	shalt  }
0x64: {  	_ =	shalt  }
0x65: {  	_ =	shalt  }
0x66: {  	_ =	shalt  }
0x67: {  	_ =	shalt  }
0x68: {  	_ =	shalt  }
0x69: {  	_ =	shalt  }
0x6a: {  	_ =	shalt  }
0x6b: {  	_ =	shalt  }
0x6c: {  	_ =	shalt  }
0x6d: {  	_ =	shalt  }
0x6e: {  	_ =	shalt  }
0x6f: {  	_ =	shalt  }
0x70: {  	_ =	shalt  }
0x71: {  	_ =	shalt  }
0x72: {  	_ =	shalt  }
0x73: {  	_ =	shalt  }
0x74: {  	_ =	shalt  }
0x75: {  	_ =	shalt  }
0x76: {  	_ =	shalt  }
0x77: {  	_ =	shalt  }
0x78: {  	_ =	shalt  }
0x79: {  	_ =	shalt  }
0x7a: {  	_ =	shalt  }
0x7b: {  	_ =	shalt  }
0x7c: {  	_ =	shalt  }
0x7d: {  	_ =	shalt  }
0x7e: {  	_ =	shalt  }
0x7f: {  	_ =	shalt  }
0x80: {  	_ =	shalt  }
0x81: {  	_ =	shalt  }
0x82: {  	_ =	shalt  }
0x83: {  	_ =	shalt  }
0x84: {  	_ =	shalt  }
0x85: {  	_ =	shalt  }
0x86: {  	_ =	shalt  }
0x87: {  	_ =	shalt  }
.Lfunc_end0:
.L_simem_size_0:
called_computation_lowered:
.L_overlay_start_0:
0x88: {  	s2 =	sld [smem:$0x3FD9]  }
0x89: {  	s3 =	sld [smem:$0x3FFE];
	_ =	sdelay $0x1  }
0x8a: {  	s1 =	srdreg.scid  }
0x8b: {  	s0 =	sand.u32 $0x1, s1  }
0x8c: {  	s14 =	sshll.u32 s0, $0xA;
	s2 =	sadd.s32 s3, s2  }
0x8d: {  	s2 =	sadd.s32 s2, s14  }
0x8e: {  	[smem:$0x3FC6] =	sst s2  }
0x8f: {  	_ = 	snop  }
0x90: {  	s2 =	sld [smem:$0x3FD0];
	_ =	sdelay $0x2  }
0x91: {  	s15 =	simm.s32 $0xA;
	s4 =	simm.s32 $0x10  }
0x92: {  	[smem:s4], [sflag:s15] =	dma.local [hbm:s2], $0x1  }
0x93: {  	_ =	swait.eq [sflag:s15], $0x1  }
0x94: {  	[sflag:s15] =	ssyncset.done $0x0  }
0x95: {  	s16 =	sld [smem:$0x10];
	[sflag:s15] =	ssyncadd.s32 $0xFFFFFFFF  }
0x96: {  	s17 =	sld [smem:$0x11];
	(tm) =	ssettm $0x1  }
0x97: {  	s18 =	sld [smem:$0x3FFB];
	_ =	sdelay $0x3  }
0x98: {  	_ =	strace s18  }
0x99: {  	s4 =	sld [smem:$0x3FFC];
	_ =	sdelay $0x3  }
0x9a: {  	_ =	strace s4  }
0x9b: {  	s4 =	sld [smem:$0x3FFD];
	_ =	sdelay $0x3  }
0x9c: {  	_ =	strace s4  }
0x9d: {  	_ =	strace $0x8FFFFFFF  }
0x9e: {  	s19 =	sld [smem:$0x3FDB];
	_ =	sdelay $0x1  }
0x9f: {  	s5 =	simm.s32 $_scs_section_size  }
0xa0: {  	s6 =	simm.s32 $_size__tile_overlayer_lowered;
	s7 =	simm.s32 $_tile_overlayer_lowered  }
0xa1: {  	s22 =	simm.s32 $0x1BFF;
	s21 =	sshll.u32 s7, $0x1;
	s4 =	sadd.s32 s5, s19  }
0xa2: {  	s8 =	simm.s32 $0x0;
	s20 =	sshll.u32 s6, $0x1;
	s6 =	sadd.s32 s21, s4  }
0xa3: {  	[timem:s8], [sflag:s22] =	dma.local [hbm:s6], s20  }
0xa4: {  	_ =	swait.ge [sflag:s22], s20  }
0xa5: {  	s5 =	ssub.s32 $0x0, s20;
	[sflag:s22] =	ssyncset.done $0x0  }
0xa6: {  	[sflag:s22] =	ssyncadd.s32 s5;
	_ =	sdelay $0x1  }
0xa7: {  	s23 =	simm.s32 $0x1B8B  }
0xa8: {  	_ =	swait.ge [sflag:s23], $0x1  }
0xa9: {  	[sflag:s23] =	ssyncset.done $0x0  }
0xaa: {  	s25 =	simm.s32 $0x1B8E;
	s24 =	sld [smem:$0x3FFE];
	[sflag:s23] =	ssyncadd.s32 $0xFFFFFFFF  }
0xab: {  	s26 =	simm.s32 $execute0_lowered;
	[smem:$0x3FD2] =	sst s25  }
0xac: {  	s6 =	sshll.u32 s26, $0x1;
	_ =	strace $0x80000046;
	[dreg:$0x1] =	wrdreg $0xFFFFFFFF  }
0xad: {  	s28 =	simm.s32 $_size_execute0_lowered;
	s4 =	sadd.s32 s4, s6;
	[dreg:$0x0] =	wrdreg $0x0  }
0xae: {  	s6 =	sshll.u32 s28, $0x1;
	[dreg:$0x2] =	wrdreg s4  }
0xaf: {  	[dreg:$0x3] =	wrdreg s6  }
0xb0: {  	[dreg:$0x4] =	wrdreg $0xC0  }
0xb1: {  	_ =	task [dreg:s8], $0x5FFFF  }
0xb2: {  	[dreg:$0x1] =	wrdreg $0xFFFFFFFF  }
0xb3: {  	[dreg:$0x0] =	wrdreg $0x60  }
0xb4: {  	[dreg:$0x2] =	wrdreg s16  }
0xb5: {  	[dreg:$0x3] =	wrdreg s24  }
0xb6: {  	[dreg:$0x4] =	wrdreg s17  }
0xb7: {  	[dreg:$0x5] =	wrdreg $0x9  }
0xb8: {  	_ =	task.clear_ibuf [dreg:s8], $0x6FFFF;
	_ =	strace $0x90000046  }
0xb9: {  	s29 =	simm.s32 $0x9;
	_ =	strace $0x80000048  }
0xba: {  	_ =	swait.ge [sflag:s29], $0x1  }
0xbb: {  	[sflag:s29] =	ssyncadd.s32 $0xFFFFFFFF  }
0xbc: {  	_ =	strace $0x90000048  }
0xbd: {  	_ =	sfence  }
0xbe: {  	s30 =	sld [smem:$0x0];
	_ =	sdelay $0x2  }
0xbf: {  	s31 =	sshll.u32 s1, $0xD;
	s1 =	sshrl.u32 s1, $0x2  }
0xc0: {  	s3 =	sand.u32 $0x4000, s31;
	s1 =	sadd.s32 s1, s30  }
0xc1: {  	s0 =	sor.u32 s3, s0;
	s1 =	sshll.u32 s1, $0x11  }
0xc2: {  	s0 =	sor.u32 s1, s0  }
0xc3: {  	s0 =	sadd.s32 $0x8F2B, s0  }
0xc4: {  	[sflag:s0] =	ssyncadd.remote.s32 $0x1  }
0xc5: {  	_ =	sfence.sel $0xFFFF  }
0xc6: {  	[dreg:$0x0] =	wrdreg $0xFFFFFFFF;
	(pc) =	sbr.abs _section_cstart, $3  }
0xc7: {  	[dreg:$0x1] =	wrdreg $0xFFFFFFFF  }
0xc8: {  	_ =	task.clear_ibuf [dreg:s8], $0x2FFFF;
	_ =	strace $0x9FFFFFFF  }
0xc9: {  	(tm) =	ssettm $0x7FFFFFFF  }
tec
execute0_lowered:
.L_overlay_start_1:
0x0: {  	(tag) =	ssettag $0x1  }
0x1: {  	s2 =	srdreg.scid;
	s0 =	stileid.u32  }
0x2: {  	s1 =	rddreg [dreg:$0x0];
	s13 =	sand.u32 $0x1, s2;
	s31 =	sshll.u32 s0, $0x1  }
0x3: {  	s7 =	rddreg [dreg:$0x1];
	s10 =	sor.u32 s13, s31  }
0x4: {  	s3 =	rddreg [dreg:$0x2];
	s4 =	simm.s32 $0x0;
	s5 =	sshll.u32 s10, $0x4  }
0x5: {  	[smem:$0x7FF] =	sst s4;
	s5 =	sadd.s32 s5, s7  }
0x6: {  	s2 =	rddreg [dreg:$0x3];
	_ =	strace $0x80000047;
	s5 =	sadd.s32 $0x600, s5  }
0x7: {  	[tilespmem:s4], [sflag:$0x1] =	stream.linear.gather [hbm4b:s5+s4], $0x80, $0x38;
	[tilespmem:$0x4080] =	vst v63  }
0x8: {  	s6 =	simm.s32 $0x80  }
0x9: {  	[tilespmem:s6], [sflag:$0x2] =	stream.linear.gather [hbm4b:s1+s4], $0x2000, $0x38;
	[tilespmem:$0x4080] =	vst v63  }
0xa: {  	s9 =	simm.s32 $0x2080;
	s8 =	simm.s32 $0x2;
	s7 =	sadd.s32 $0x800, s7  }
0xb: {  	[tilespmem:s9], [sflag:$0x3] =	stream.linear.gather [hbm4b:s7+s4], $0x2000, $0x38;
	[tilespmem:$0x4080] =	vst v63  }
0xc: {  	_ =	swait.ge [sflag:s8], $0x2000  }
0xd: {  	s10 =	sshll.u32 s10, $0xA;
	[sflag:s8] =	ssyncset.done $0x0  }
0xe: {  	s11 =	simm.s32 $0x4;
	s10 =	sadd.s32 s3, s10;
	[sflag:s8] =	ssyncadd.s32 $0xFFFFE000  }
0xf: {  	[hbm4b:s10+s4] =	stream.linear.scatter [tilespmem:s6], [sflag:$0x4], $0x2000, $0x38;
	[tilespmem:$0x4080] =	vst v63  }
0x10: {  	_ =	swait.ge [sflag:s11], $0x2000  }
0x11: {  	[sflag:s11] =	ssyncset.done $0x0  }
0x12: {  	s12 =	simm.s32 $0x1;
	s14 =	ssub.s32 $0x2, s13;
	[sflag:s11] =	ssyncadd.s32 $0xFFFFE000  }
0x13: {  	s15 =	sshrl.u32 s14, $0x1;
	_ =	swait.ge [sflag:s12], $0x80  }
0x14: {  	s14 =	ssub.s32 s14, s15;
	[sflag:s12] =	ssyncset.done $0x0  }
0x15: {  	s13 =	simm.s32 $0x3;
	s15 =	smax.u32 s14, $0x1;
	[sflag:s12] =	ssyncadd.s32 $0xFFFFFF80  }
0x16: {  	p0 =	sne.s32 s15, $0x1;
	_ =	swait.ge [sflag:s13], $0x2000  }
.Ltmp0:
0x17: {  	[sflag:s13] =	ssyncset.done $0x0;
	(pc) =	sbr.rel @!p0 .LBB2_2-.Ltmp0, $4  }
0x18: {  	s14 =	simm.s32 $0x40;
	[sflag:s13] =	ssyncadd.s32 $0xFFFFE000  }
0x19: {  	[hbm4b:s3+s14] =	stream.indirect.scatter [tilespmem:s9], [sflag:$0x2], $0x80, s4, s14, $0xb8;
	[tilespmem:$0x4080] =	vst v63  }
0x1a: {  	_ =	swait.ge [sflag:s8], $0x2000  }
0x1b: {  	s15 =	sadd.s32 $0xFFFFFFFF, s15;
	[sflag:s8] =	ssyncset.done $0x0  }
.LBB2_1:
0x1c: {  	p0 =	sne.s32 s15, $0x1;
	s15 =	sadd.s32 $0xFFFFFFFF, s15;
	[sflag:s8] =	ssyncadd.s32 $0xFFFFE000  }
0x1d: {  	[tilespmem:s4], [sflag:$0x1] =	stream.linear.gather [hbm4b:s5+s4], $0x80, $0x38;
	[tilespmem:$0x4080] =	vst v63  }
0x1e: {  	_ = 	snop  }
0x1f: {  	[tilespmem:s6], [sflag:$0x2] =	stream.linear.gather [hbm4b:s1+s4], $0x2000, $0x38;
	[tilespmem:$0x4080] =	vst v63  }
0x20: {  	_ = 	snop  }
0x21: {  	[tilespmem:s9], [sflag:$0x3] =	stream.linear.gather [hbm4b:s7+s4], $0x2000, $0x38;
	[tilespmem:$0x4080] =	vst v63  }
0x22: {  	_ =	swait.ge [sflag:s8], $0x2000  }
0x23: {  	[sflag:s8] =	ssyncset.done $0x0  }
0x24: {  	[sflag:s8] =	ssyncadd.s32 $0xFFFFE000  }
0x25: {  	[hbm4b:s10+s4] =	stream.linear.scatter [tilespmem:s6], [sflag:$0x4], $0x2000, $0x38;
	[tilespmem:$0x4080] =	vst v63  }
0x26: {  	_ =	swait.ge [sflag:s11], $0x2000  }
0x27: {  	[sflag:s11] =	ssyncset.done $0x0  }
0x28: {  	[sflag:s11] =	ssyncadd.s32 $0xFFFFE000  }
0x29: {  	_ =	swait.ge [sflag:s12], $0x80  }
0x2a: {  	[sflag:s12] =	ssyncset.done $0x0  }
0x2b: {  	[sflag:s12] =	ssyncadd.s32 $0xFFFFFF80  }
0x2c: {  	_ =	swait.ge [sflag:s13], $0x2000  }
.Ltmp1:
0x2d: {  	[sflag:s13] =	ssyncset.done $0x0;
	(pc) =	sbr.rel @p0 .LBB2_1-.Ltmp1, $4  }
0x2e: {  	[sflag:s13] =	ssyncadd.s32 $0xFFFFE000  }
0x2f: {  	[hbm4b:s3+s14] =	stream.indirect.scatter [tilespmem:s9], [sflag:$0x2], $0x80, s4, s14, $0xb8;
	[tilespmem:$0x4080] =	vst v63  }
0x30: {  	_ =	swait.ge [sflag:s8], $0x2000  }
0x31: {  	[sflag:s8] =	ssyncset.done $0x0  }
.LBB2_2:
0x32: {  	[sflag:s8] =	ssyncadd.s32 $0xFFFFE000  }
0x33: {  	_ =	sfence.sel $0x180000  }
0x34: {  	[bflag:$0x0] =	sbarrier.arrive $0xFFFF  }
0x35: {  	p0 =	sne.s32 s0, $0x0;
	_ =	strace $0x90000047  }
0x36: {  	s0 =	sadd.s32 @!p0 $0x100000, s2;
	[bflag:$0x2] =	sbarrier.arrive $0xFFFF  }
0x37: {  	[sflag:s0] =	ssyncadd.tile.s32 @!p0 $0x1;
	_ =	shalt  }
.Lfunc_end2:
_tile_overlayer_lowered:
.L_overlay_start_2:
0x38: {  	(tag) =	ssettag $0x2  }
0x39: {  	s0 =	rddreg [dreg:$0x0];
	s2 =	stileid.u32  }
0x3a: {  	s1 =	rddreg [dreg:$0x1];
	p0 =	sne.s32 s2, $0x0  }
0x3b: {  	s3 =	rddreg [dreg:$0x2];
	[bflag:$0x3] =	sbarrier.arrive $0xFFFF;
	s2 =	simm.s32 @!p0 $0x1C04  }
0x3c: {  	[timem:s3], [sflag:s2] =	dma.local @!p0 [hbm:s0], s1  }
0x3d: {  	s0 =	simm.s32 @!p0 $0x4  }
0x3e: {  	_ =	swait.ge @!p0 [sflag:s0], s1  }
0x3f: {  	s1 =	ssub.s32 @!p0 $0x0, s1;
	[sflag:s0] =	ssyncset.done @!p0 $0x0  }
0x40: {  	[sflag:s0] =	ssyncadd.s32 @!p0 s1  }
0x41: {  	[bflag:$0x3] =	sbarrier.arrive $0xFFFF  }
0x42: {  	_ =	shalt  }

</sc_bundles>
